<compile_context>
chip_gen: v7x
topology: tpu7x:2x2x1
jax: 0.10.2.dev20260603
libtpu: 0.0.44.dev20260713+nightly
codegen_flags: <defaults>
</compile_context>

<pallas_src>
import jax
import jax.numpy as jnp
from jax import lax
from jax.experimental import pallas as pl
from jax.experimental.pallas import tpu as pltpu, tpu_sc as plsc

_NUM_CLASSES = 100000
_DIM = 64
_BATCH = 16384

_INFO = plsc.get_sparse_core_info()
_NC = _INFO.num_cores
_NS = _INFO.num_subcores
_NW = _NC * _NS
_CPT = _DIM // _NW
_LANES = 16
_FCH = 4096
_NCH = _BATCH // _FCH * _CPT
_UNROLL = 8


def _body(ct_hbm, y_hbm, ft_hbm, out_hbm, col_v, idx_v, f_v, acc_v,
          csem, isem, fsem):
    c = lax.axis_index("c")
    s = lax.axis_index("s")
    wid = s * _NC + c
    col0 = wid * _CPT
    half = _NCH // _CPT

    def col_copy(ci):
        return pltpu.make_async_copy(ct_hbm.at[col0 + ci], col_v, csem)

    def f_copy(t, buf):
        col = col0 + lax.div(t, half)
        ch = lax.rem(t, half)
        return pltpu.make_async_copy(
            ft_hbm.at[col, pl.ds(ch * _FCH, _FCH)],
            f_v.at[pl.ds(buf * _FCH, _FCH)], fsem.at[buf])

    pltpu.make_async_copy(y_hbm, idx_v, isem).start()
    col_copy(0).start()
    f_copy(0, 0).start()
    pltpu.make_async_copy(y_hbm, idx_v, isem).wait()

    accs = (jnp.zeros((_LANES,), jnp.float32),) * _UNROLL

    def chunk(t, accs):
        buf = lax.rem(t, 2)

        @pl.when(t == 0)
        def _():
            col_copy(0).wait()

        @pl.when(t == half)
        def _():
            col_copy(1).start()
            col_copy(1).wait()

        @pl.when(t + 1 < _NCH)
        def _():
            f_copy(t + 1, 1 - buf).start()

        f_copy(t, buf).wait()
        ibase = lax.rem(t, half) * _FCH
        fbase = buf * _FCH

        def step(off, accs):
            new = []
            for u in range(_UNROLL):
                o = off + u * _LANES
                g = plsc.load_gather(col_v, [idx_v[pl.ds(ibase + o, _LANES)]])
                d = f_v[pl.ds(fbase + o, _LANES)] - g
                new.append(accs[u] + d * d)
            return tuple(new)

        return plsc.parallel_loop(
            0, _FCH, step=_UNROLL * _LANES, carry=accs)(step)

    accs = lax.fori_loop(0, _NCH, chunk, accs)

    total = accs[0]
    for u in range(1, _UNROLL):
        total = total + accs[u]
    acc_v[...] = total
    pltpu.sync_copy(acc_v, out_hbm.at[wid])


_sc_call = pl.kernel(
    _body,
    out_type=jax.ShapeDtypeStruct((_NW, _LANES), jnp.float32),
    mesh=plsc.VectorSubcoreMesh(core_axis_name="c", subcore_axis_name="s"),
    compiler_params=pltpu.CompilerParams(
        needs_layout_passes=False, skip_device_barrier=True),
    scratch_types=[
        pltpu.VMEM((_NUM_CLASSES,), jnp.float32),
        pltpu.VMEM((_BATCH,), jnp.int32),
        pltpu.VMEM((2 * _FCH,), jnp.float32),
        pltpu.VMEM((_LANES,), jnp.float32),
        pltpu.SemaphoreType.DMA,
        pltpu.SemaphoreType.DMA,
        pltpu.SemaphoreType.DMA((2,)),
    ],
)


@jax.jit
def kernel(f, y, centers):
    partials = _sc_call(centers.T, y.astype(jnp.int32), f.T)
    return jnp.sum(partials) * (1.0 / _BATCH)

# --- scband reference (transcript-rebuilt; emitter-appended) ---
"""Pipeline reference for scband-center-loss-50620484550717 (READ-ONLY COPY).

The authoritative reference and input builder live on the scoring server;
editing this copy changes nothing except your own understanding.
"""

import jax, jax.numpy as jnp
import numpy as np

NUM_CLASSES = 100000
DIM = 64
BATCH = 16384

def setup_inputs(seed: int = 0) -> dict:
    key = jax.random.key(seed)
    k1, k2, k3 = jax.random.split(key, 3)
    f = jax.random.normal(k1, (BATCH, DIM), dtype=jnp.float32)
    y = jax.random.randint(k2, (BATCH,), 0, NUM_CLASSES, dtype=jnp.int64)
    centers = jax.random.normal(k3, (NUM_CLASSES, DIM), dtype=jnp.float32)
    return {"f": f, "y": y, "centers": centers}

def reference(f, y, centers):
    gathered = jnp.take(centers, y, axis=0)
    diff = f - gathered
    loss = jnp.mean(jnp.sum(diff * diff, axis=1))
    return loss

if __name__ == "__main__":
    import jax
    _d = setup_inputs()
    print(jax.jit(kernel)(*tuple(_d.values())))

</pallas_src>

<mosaic_0001>
#map = affine_map<(d0, d1) -> (0, 0)>
#map1 = affine_map<(d0, d1) -> (0)>
module attributes {stable_mosaic.version = 14 : i64} {
  func.func @_body(%arg0: i32, %arg1: i32, %arg2: memref<64x100000xf32, #tpu.memory_space<hbm>>, %arg3: memref<16384xi32, #tpu.memory_space<hbm>>, %arg4: memref<64x16384xf32, #tpu.memory_space<hbm>>, %arg5: memref<32x16xf32, #tpu.memory_space<hbm>>, %arg6: memref<100000xf32, #tpu.memory_space<vmem>>, %arg7: memref<16384xi32, #tpu.memory_space<vmem>>, %arg8: memref<8192xf32, #tpu.memory_space<vmem>>, %arg9: memref<16xf32, #tpu.memory_space<vmem>>, %arg10: memref<!tpu.dma_semaphore, #tpu.memory_space<semaphore_mem>>, %arg11: memref<!tpu.dma_semaphore, #tpu.memory_space<semaphore_mem>>, %arg12: memref<2x!tpu.dma_semaphore, #tpu.memory_space<semaphore_mem>>) attributes {dimension_semantics = [#tpu.dimension_semantics<core_parallel>, #tpu.dimension_semantics<subcore_parallel>], iteration_bounds = array<i64: 2, 16>, scalar_prefetch = 0 : i64, scratch_operands = 7 : i64, tpu.core_type = #tpu.core_type<sc_vector_subcore>, window_params = [{transform_indices = #map}, {transform_indices = #map1}, {transform_indices = #map}, {transform_indices = #map}]} {
    %mul3A = arith.constant 2 : i32
    %mul3A_0 = arith.muli %arg1, %mul3A : i32
    %add3A = arith.addi %mul3A_0, %arg0 : i32
    %mul3A_1 = arith.constant 2 : i32
    %mul3A_2 = arith.muli %add3A, %mul3A_1 : i32
    tpu.enqueue_dma source(%arg3 : memref<16384xi32, #tpu.memory_space<hbm>>) target(%arg7 : memref<16384xi32, #tpu.memory_space<vmem>>) target_semaphore(%arg11 : memref<!tpu.dma_semaphore, #tpu.memory_space<semaphore_mem>>)
    %add3A_3 = arith.constant 0 : i32
    %add3A_4 = arith.addi %mul3A_2, %add3A_3 : i32
    %dma_start3A = arith.constant 0 : i32
    %dma_start3A_5 = tpu.memref_slice %arg2[%add3A_4, %dma_start3A] : memref<64x100000xf32, #tpu.memory_space<hbm>> -> memref<1x100000xf32, #tpu.memory_space<hbm>>
    %dma_start3A_6 = tpu.memref_squeeze %dma_start3A_5 : memref<1x100000xf32, #tpu.memory_space<hbm>> -> memref<100000xf32, #tpu.memory_space<hbm>>
    %dma_start3A_7 = arith.constant 0 : i32
    %dma_start3A_8 = tpu.memref_slice %arg2[%add3A_4, %dma_start3A_7] : memref<64x100000xf32, #tpu.memory_space<hbm>> -> memref<1x100000xf32, #tpu.memory_space<hbm>>
    %dma_start3A_9 = tpu.memref_squeeze %dma_start3A_8 : memref<1x100000xf32, #tpu.memory_space<hbm>> -> memref<100000xf32, #tpu.memory_space<hbm>>
    tpu.enqueue_dma source(%dma_start3A_9 : memref<100000xf32, #tpu.memory_space<hbm>>) target(%arg6 : memref<100000xf32, #tpu.memory_space<vmem>>) target_semaphore(%arg10 : memref<!tpu.dma_semaphore, #tpu.memory_space<semaphore_mem>>)
    %div3A = arith.constant 0 : i32
    %div3A_10 = arith.constant 4 : i32
    %div3A_11 = arith.divsi %div3A, %div3A_10 : i32
    %add3A_12 = arith.addi %mul3A_2, %div3A_11 : i32
    %rem3A = arith.constant 0 : i32
    %rem3A_13 = arith.constant 4 : i32
    %rem3A_14 = arith.remsi %rem3A, %rem3A_13 : i32
    %mul3A_15 = arith.constant 4096 : i32
    %mul3A_16 = arith.muli %rem3A_14, %mul3A_15 : i32
    %dma_start3A_17 = arith.constant 0 : i32
    %dma_start3A_18 = arith.constant 0 : i32
    %dma_start3A_19 = tpu.memref_slice %arg8[%dma_start3A_18] : memref<8192xf32, #tpu.memory_space<vmem>> -> memref<4096xf32, #tpu.memory_space<vmem>>
    %dma_start3A_20 = tpu.memref_slice %arg4[%add3A_12, %mul3A_16] : memref<64x16384xf32, #tpu.memory_space<hbm>> -> memref<1x4096xf32, #tpu.memory_space<hbm>>
    %dma_start3A_21 = tpu.memref_squeeze %dma_start3A_20 : memref<1x4096xf32, #tpu.memory_space<hbm>> -> memref<4096xf32, #tpu.memory_space<hbm>>
    %dma_start3A_22 = tpu.memref_slice %arg12[%dma_start3A_17] : memref<2x!tpu.dma_semaphore, #tpu.memory_space<semaphore_mem>> -> memref<1x!tpu.dma_semaphore, #tpu.memory_space<semaphore_mem>>
    %dma_start3A_23 = tpu.memref_squeeze %dma_start3A_22 : memref<1x!tpu.dma_semaphore, #tpu.memory_space<semaphore_mem>> -> memref<!tpu.dma_semaphore, #tpu.memory_space<semaphore_mem>>
    %dma_start3A_24 = arith.constant 0 : i32
    %dma_start3A_25 = tpu.memref_slice %arg8[%dma_start3A_24] : memref<8192xf32, #tpu.memory_space<vmem>> -> memref<4096xf32, #tpu.memory_space<vmem>>
    %dma_start3A_26 = tpu.memref_slice %arg4[%add3A_12, %mul3A_16] : memref<64x16384xf32, #tpu.memory_space<hbm>> -> memref<1x4096xf32, #tpu.memory_space<hbm>>
    %dma_start3A_27 = tpu.memref_squeeze %dma_start3A_26 : memref<1x4096xf32, #tpu.memory_space<hbm>> -> memref<4096xf32, #tpu.memory_space<hbm>>
    tpu.enqueue_dma source(%dma_start3A_27 : memref<4096xf32, #tpu.memory_space<hbm>>) target(%dma_start3A_25 : memref<4096xf32, #tpu.memory_space<vmem>>) target_semaphore(%dma_start3A_23 : memref<!tpu.dma_semaphore, #tpu.memory_space<semaphore_mem>>)
    tpu.wait_dma2 semaphore(%arg11 : memref<!tpu.dma_semaphore, #tpu.memory_space<semaphore_mem>>) src(%arg3 : memref<16384xi32, #tpu.memory_space<hbm>>) dst(%arg7 : memref<16384xi32, #tpu.memory_space<vmem>>)
    %broadcast_in_dim3A = arith.constant 0.000000e+00 : f32
    %broadcast_in_dim3A_28 = vector.broadcast %broadcast_in_dim3A : f32 to vector<16xf32>
    %scan3A = arith.constant 0 : i32
    %scan3A_29 = arith.constant 8 : i32
    %scan3A_30 = arith.addi %scan3A, %scan3A_29 : i32
    %scan3A_31 = arith.constant 1 : i32
    %scan3A_32:8 = scf.for %scan3A_42 = %scan3A to %scan3A_30 step %scan3A_31 iter_args(%scan3A_43 = %broadcast_in_dim3A_28, %scan3A_44 = %broadcast_in_dim3A_28, %scan3A_45 = %broadcast_in_dim3A_28, %scan3A_46 = %broadcast_in_dim3A_28, %scan3A_47 = %broadcast_in_dim3A_28, %scan3A_48 = %broadcast_in_dim3A_28, %scan3A_49 = %broadcast_in_dim3A_28, %scan3A_50 = %broadcast_in_dim3A_28) -> (vector<16xf32>, vector<16xf32>, vector<16xf32>, vector<16xf32>, vector<16xf32>, vector<16xf32>, vector<16xf32>, vector<16xf32>)  : i32 {
      %rem3A_51 = arith.constant 2 : i32
      %rem3A_52 = arith.remsi %scan3A_42, %rem3A_51 : i32
      %eq3A = arith.constant 0 : i32
      %eq3A_53 = arith.cmpi eq, %scan3A_42, %eq3A : i32
      %convert_element_type3A = arith.extui %eq3A_53 : i1 to i32
      %cond3A = arith.constant 0 : i32
      %cond3A_54 = arith.cmpi ne, %convert_element_type3A, %cond3A : i32
      scf.if %cond3A_54 {
        %add3A_91 = arith.constant 0 : i32
        %add3A_92 = arith.addi %mul3A_2, %add3A_91 : i32
        %dma_wait3A_93 = arith.constant 0 : i32
        %dma_wait3A_94 = tpu.memref_slice %arg2[%add3A_92, %dma_wait3A_93] : memref<64x100000xf32, #tpu.memory_space<hbm>> -> memref<1x100000xf32, #tpu.memory_space<hbm>>
        %dma_wait3A_95 = tpu.memref_squeeze %dma_wait3A_94 : memref<1x100000xf32, #tpu.memory_space<hbm>> -> memref<100000xf32, #tpu.memory_space<hbm>>
        %dma_wait3A_96 = arith.constant 0 : i32
        %dma_wait3A_97 = tpu.memref_slice %arg2[%add3A_92, %dma_wait3A_96] : memref<64x100000xf32, #tpu.memory_space<hbm>> -> memref<1x100000xf32, #tpu.memory_space<hbm>>
        %dma_wait3A_98 = tpu.memref_squeeze %dma_wait3A_97 : memref<1x100000xf32, #tpu.memory_space<hbm>> -> memref<100000xf32, #tpu.memory_space<hbm>>
        tpu.wait_dma2 semaphore(%arg10 : memref<!tpu.dma_semaphore, #tpu.memory_space<semaphore_mem>>) src(%dma_wait3A_98 : memref<100000xf32, #tpu.memory_space<hbm>>) dst(%arg6 : memref<100000xf32, #tpu.memory_space<vmem>>)
      } else {
      }
      %eq3A_55 = arith.constant 4 : i32
      %eq3A_56 = arith.cmpi eq, %scan3A_42, %eq3A_55 : i32
      %convert_element_type3A_57 = arith.extui %eq3A_56 : i1 to i32
      %cond3A_58 = arith.constant 0 : i32
      %cond3A_59 = arith.cmpi ne, %convert_element_type3A_57, %cond3A_58 : i32
      scf.if %cond3A_59 {
        %add3A_91 = arith.constant 1 : i32
        %add3A_92 = arith.addi %mul3A_2, %add3A_91 : i32
        %dma_start3A_93 = arith.constant 0 : i32
        %dma_start3A_94 = tpu.memref_slice %arg2[%add3A_92, %dma_start3A_93] : memref<64x100000xf32, #tpu.memory_space<hbm>> -> memref<1x100000xf32, #tpu.memory_space<hbm>>
        %dma_start3A_95 = tpu.memref_squeeze %dma_start3A_94 : memref<1x100000xf32, #tpu.memory_space<hbm>> -> memref<100000xf32, #tpu.memory_space<hbm>>
        %dma_start3A_96 = arith.constant 0 : i32
        %dma_start3A_97 = tpu.memref_slice %arg2[%add3A_92, %dma_start3A_96] : memref<64x100000xf32, #tpu.memory_space<hbm>> -> memref<1x100000xf32, #tpu.memory_space<hbm>>
        %dma_start3A_98 = tpu.memref_squeeze %dma_start3A_97 : memref<1x100000xf32, #tpu.memory_space<hbm>> -> memref<100000xf32, #tpu.memory_space<hbm>>
        tpu.enqueue_dma source(%dma_start3A_98 : memref<100000xf32, #tpu.memory_space<hbm>>) target(%arg6 : memref<100000xf32, #tpu.memory_space<vmem>>) target_semaphore(%arg10 : memref<!tpu.dma_semaphore, #tpu.memory_space<semaphore_mem>>)
        %add3A_99 = arith.constant 1 : i32
        %add3A_100 = arith.addi %mul3A_2, %add3A_99 : i32
        %dma_wait3A_101 = arith.constant 0 : i32
        %dma_wait3A_102 = tpu.memref_slice %arg2[%add3A_100, %dma_wait3A_101] : memref<64x100000xf32, #tpu.memory_space<hbm>> -> memref<1x100000xf32, #tpu.memory_space<hbm>>
        %dma_wait3A_103 = tpu.memref_squeeze %dma_wait3A_102 : memref<1x100000xf32, #tpu.memory_space<hbm>> -> memref<100000xf32, #tpu.memory_space<hbm>>
        %dma_wait3A_104 = arith.constant 0 : i32
        %dma_wait3A_105 = tpu.memref_slice %arg2[%add3A_100, %dma_wait3A_104] : memref<64x100000xf32, #tpu.memory_space<hbm>> -> memref<1x100000xf32, #tpu.memory_space<hbm>>
        %dma_wait3A_106 = tpu.memref_squeeze %dma_wait3A_105 : memref<1x100000xf32, #tpu.memory_space<hbm>> -> memref<100000xf32, #tpu.memory_space<hbm>>
        tpu.wait_dma2 semaphore(%arg10 : memref<!tpu.dma_semaphore, #tpu.memory_space<semaphore_mem>>) src(%dma_wait3A_106 : memref<100000xf32, #tpu.memory_space<hbm>>) dst(%arg6 : memref<100000xf32, #tpu.memory_space<vmem>>)
      } else {
      }
      %add3A_60 = arith.constant 1 : i32
      %add3A_61 = arith.addi %scan3A_42, %add3A_60 : i32
      %lt3A = arith.constant 8 : i32
      %lt3A_62 = arith.cmpi slt, %add3A_61, %lt3A : i32
      %convert_element_type3A_63 = arith.extui %lt3A_62 : i1 to i32
      %cond3A_64 = arith.constant 0 : i32
      %cond3A_65 = arith.cmpi ne, %convert_element_type3A_63, %cond3A_64 : i32
      scf.if %cond3A_65 {
        %add3A_91 = arith.constant 1 : i32
        %add3A_92 = arith.addi %scan3A_42, %add3A_91 : i32
        %sub3A = arith.constant 1 : i32
        %sub3A_93 = arith.subi %sub3A, %rem3A_52 : i32
        %div3A_94 = arith.constant 4 : i32
        %div3A_95 = arith.divsi %add3A_92, %div3A_94 : i32
        %add3A_96 = arith.addi %mul3A_2, %div3A_95 : i32
        %rem3A_97 = arith.constant 4 : i32
        %rem3A_98 = arith.remsi %add3A_92, %rem3A_97 : i32
        %mul3A_99 = arith.constant 4096 : i32
        %mul3A_100 = arith.muli %rem3A_98, %mul3A_99 : i32
        %mul3A_101 = arith.constant 4096 : i32
        %mul3A_102 = arith.muli %sub3A_93, %mul3A_101 : i32
        %dma_start3A_103 = tpu.memref_slice %arg8[%mul3A_102] : memref<8192xf32, #tpu.memory_space<vmem>> -> memref<4096xf32, #tpu.memory_space<vmem>>
        %dma_start3A_104 = tpu.memref_slice %arg4[%add3A_96, %mul3A_100] : memref<64x16384xf32, #tpu.memory_space<hbm>> -> memref<1x4096xf32, #tpu.memory_space<hbm>>
        %dma_start3A_105 = tpu.memref_squeeze %dma_start3A_104 : memref<1x4096xf32, #tpu.memory_space<hbm>> -> memref<4096xf32, #tpu.memory_space<hbm>>
        %dma_start3A_106 = tpu.memref_slice %arg12[%sub3A_93] : memref<2x!tpu.dma_semaphore, #tpu.memory_space<semaphore_mem>> -> memref<1x!tpu.dma_semaphore, #tpu.memory_space<semaphore_mem>>
        %dma_start3A_107 = tpu.memref_squeeze %dma_start3A_106 : memref<1x!tpu.dma_semaphore, #tpu.memory_space<semaphore_mem>> -> memref<!tpu.dma_semaphore, #tpu.memory_space<semaphore_mem>>
        %dma_start3A_108 = tpu.memref_slice %arg8[%mul3A_102] : memref<8192xf32, #tpu.memory_space<vmem>> -> memref<4096xf32, #tpu.memory_space<vmem>>
        %dma_start3A_109 = tpu.memref_slice %arg4[%add3A_96, %mul3A_100] : memref<64x16384xf32, #tpu.memory_space<hbm>> -> memref<1x4096xf32, #tpu.memory_space<hbm>>
        %dma_start3A_110 = tpu.memref_squeeze %dma_start3A_109 : memref<1x4096xf32, #tpu.memory_space<hbm>> -> memref<4096xf32, #tpu.memory_space<hbm>>
        tpu.enqueue_dma source(%dma_start3A_110 : memref<4096xf32, #tpu.memory_space<hbm>>) target(%dma_start3A_108 : memref<4096xf32, #tpu.memory_space<vmem>>) target_semaphore(%dma_start3A_107 : memref<!tpu.dma_semaphore, #tpu.memory_space<semaphore_mem>>)
      } else {
      }
      %div3A_66 = arith.constant 4 : i32
      %div3A_67 = arith.divsi %scan3A_42, %div3A_66 : i32
      %add3A_68 = arith.addi %mul3A_2, %div3A_67 : i32
      %rem3A_69 = arith.constant 4 : i32
      %rem3A_70 = arith.remsi %scan3A_42, %rem3A_69 : i32
      %mul3A_71 = arith.constant 4096 : i32
      %mul3A_72 = arith.muli %rem3A_70, %mul3A_71 : i32
      %mul3A_73 = arith.constant 4096 : i32
      %mul3A_74 = arith.muli %rem3A_52, %mul3A_73 : i32
      %dma_wait3A = tpu.memref_slice %arg8[%mul3A_74] : memref<8192xf32, #tpu.memory_space<vmem>> -> memref<4096xf32, #tpu.memory_space<vmem>>
      %dma_wait3A_75 = tpu.memref_slice %arg4[%add3A_68, %mul3A_72] : memref<64x16384xf32, #tpu.memory_space<hbm>> -> memref<1x4096xf32, #tpu.memory_space<hbm>>
      %dma_wait3A_76 = tpu.memref_squeeze %dma_wait3A_75 : memref<1x4096xf32, #tpu.memory_space<hbm>> -> memref<4096xf32, #tpu.memory_space<hbm>>
      %dma_wait3A_77 = tpu.memref_slice %arg12[%rem3A_52] : memref<2x!tpu.dma_semaphore, #tpu.memory_space<semaphore_mem>> -> memref<1x!tpu.dma_semaphore, #tpu.memory_space<semaphore_mem>>
      %dma_wait3A_78 = tpu.memref_squeeze %dma_wait3A_77 : memref<1x!tpu.dma_semaphore, #tpu.memory_space<semaphore_mem>> -> memref<!tpu.dma_semaphore, #tpu.memory_space<semaphore_mem>>
      %dma_wait3A_79 = tpu.memref_slice %arg8[%mul3A_74] : memref<8192xf32, #tpu.memory_space<vmem>> -> memref<4096xf32, #tpu.memory_space<vmem>>
      %dma_wait3A_80 = tpu.memref_slice %arg4[%add3A_68, %mul3A_72] : memref<64x16384xf32, #tpu.memory_space<hbm>> -> memref<1x4096xf32, #tpu.memory_space<hbm>>
      %dma_wait3A_81 = tpu.memref_squeeze %dma_wait3A_80 : memref<1x4096xf32, #tpu.memory_space<hbm>> -> memref<4096xf32, #tpu.memory_space<hbm>>
      tpu.wait_dma2 semaphore(%dma_wait3A_78 : memref<!tpu.dma_semaphore, #tpu.memory_space<semaphore_mem>>) src(%dma_wait3A_81 : memref<4096xf32, #tpu.memory_space<hbm>>) dst(%dma_wait3A_79 : memref<4096xf32, #tpu.memory_space<vmem>>)
      %rem3A_82 = arith.constant 4 : i32
      %rem3A_83 = arith.remsi %scan3A_42, %rem3A_82 : i32
      %mul3A_84 = arith.constant 4096 : i32
      %mul3A_85 = arith.muli %rem3A_83, %mul3A_84 : i32
      %mul3A_86 = arith.constant 4096 : i32
      %mul3A_87 = arith.muli %rem3A_52, %mul3A_86 : i32
      %parallel_loop3A = arith.constant 0 : i32
      %parallel_loop3A_88 = arith.constant 4096 : i32
      %parallel_loop3A_89 = arith.constant 128 : i32
      %parallel_loop3A_90:8 = scf.for %parallel_loop3A_91 = %parallel_loop3A to %parallel_loop3A_88 step %parallel_loop3A_89 iter_args(%parallel_loop3A_92 = %scan3A_43, %parallel_loop3A_93 = %scan3A_44, %parallel_loop3A_94 = %scan3A_45, %parallel_loop3A_95 = %scan3A_46, %parallel_loop3A_96 = %scan3A_47, %parallel_loop3A_97 = %scan3A_48, %parallel_loop3A_98 = %scan3A_49, %parallel_loop3A_99 = %scan3A_50) -> (vector<16xf32>, vector<16xf32>, vector<16xf32>, vector<16xf32>, vector<16xf32>, vector<16xf32>, vector<16xf32>, vector<16xf32>)  : i32 {
        %parallel_loop3A_100 = arith.constant 0 : i32
        %parallel_loop3A_101 = arith.addi %parallel_loop3A_91, %parallel_loop3A_100 : i32
        %parallel_loop3A_102 = arith.addi %mul3A_85, %parallel_loop3A_101 : i32
        %parallel_loop3A_103 = arith.index_cast %parallel_loop3A_102 : i32 to index
        %parallel_loop3A_104 = tpu.vector_load %arg7[%parallel_loop3A_103] {strides = array<i32>} : memref<16384xi32, #tpu.memory_space<vmem>>, vector<16xi32>,
        %parallel_loop3A_105 = tpu.vector_load_idx %arg6[%parallel_loop3A_104] : memref<100000xf32, #tpu.memory_space<vmem>>[vector<16xi32>], vector<16xf32>,
        %parallel_loop3A_106 = arith.addi %mul3A_87, %parallel_loop3A_101 : i32
        %parallel_loop3A_107 = arith.index_cast %parallel_loop3A_106 : i32 to index
        %parallel_loop3A_108 = tpu.vector_load %arg8[%parallel_loop3A_107] {strides = array<i32>} : memref<8192xf32, #tpu.memory_space<vmem>>, vector<16xf32>,
        %parallel_loop3A_109 = arith.subf %parallel_loop3A_108, %parallel_loop3A_105 : vector<16xf32>
        %parallel_loop3A_110 = arith.mulf %parallel_loop3A_109, %parallel_loop3A_109 : vector<16xf32>
        %parallel_loop3A_111 = arith.addf %parallel_loop3A_92, %parallel_loop3A_110 : vector<16xf32>
        %parallel_loop3A_112 = arith.constant 16 : i32
        %parallel_loop3A_113 = arith.addi %parallel_loop3A_91, %parallel_loop3A_112 : i32
        %parallel_loop3A_114 = arith.addi %mul3A_85, %parallel_loop3A_113 : i32
        %parallel_loop3A_115 = arith.index_cast %parallel_loop3A_114 : i32 to index
        %parallel_loop3A_116 = tpu.vector_load %arg7[%parallel_loop3A_115] {strides = array<i32>} : memref<16384xi32, #tpu.memory_space<vmem>>, vector<16xi32>,
        %parallel_loop3A_117 = tpu.vector_load_idx %arg6[%parallel_loop3A_116] : memref<100000xf32, #tpu.memory_space<vmem>>[vector<16xi32>], vector<16xf32>,
        %parallel_loop3A_118 = arith.addi %mul3A_87, %parallel_loop3A_113 : i32
        %parallel_loop3A_119 = arith.index_cast %parallel_loop3A_118 : i32 to index
        %parallel_loop3A_120 = tpu.vector_load %arg8[%parallel_loop3A_119] {strides = array<i32>} : memref<8192xf32, #tpu.memory_space<vmem>>, vector<16xf32>,
        %parallel_loop3A_121 = arith.subf %parallel_loop3A_120, %parallel_loop3A_117 : vector<16xf32>
        %parallel_loop3A_122 = arith.mulf %parallel_loop3A_121, %parallel_loop3A_121 : vector<16xf32>
        %parallel_loop3A_123 = arith.addf %parallel_loop3A_93, %parallel_loop3A_122 : vector<16xf32>
        %parallel_loop3A_124 = arith.constant 32 : i32
        %parallel_loop3A_125 = arith.addi %parallel_loop3A_91, %parallel_loop3A_124 : i32
        %parallel_loop3A_126 = arith.addi %mul3A_85, %parallel_loop3A_125 : i32
        %parallel_loop3A_127 = arith.index_cast %parallel_loop3A_126 : i32 to index
        %parallel_loop3A_128 = tpu.vector_load %arg7[%parallel_loop3A_127] {strides = array<i32>} : memref<16384xi32, #tpu.memory_space<vmem>>, vector<16xi32>,
        %parallel_loop3A_129 = tpu.vector_load_idx %arg6[%parallel_loop3A_128] : memref<100000xf32, #tpu.memory_space<vmem>>[vector<16xi32>], vector<16xf32>,
        %parallel_loop3A_130 = arith.addi %mul3A_87, %parallel_loop3A_125 : i32
        %parallel_loop3A_131 = arith.index_cast %parallel_loop3A_130 : i32 to index
        %parallel_loop3A_132 = tpu.vector_load %arg8[%parallel_loop3A_131] {strides = array<i32>} : memref<8192xf32, #tpu.memory_space<vmem>>, vector<16xf32>,
        %parallel_loop3A_133 = arith.subf %parallel_loop3A_132, %parallel_loop3A_129 : vector<16xf32>
        %parallel_loop3A_134 = arith.mulf %parallel_loop3A_133, %parallel_loop3A_133 : vector<16xf32>
        %parallel_loop3A_135 = arith.addf %parallel_loop3A_94, %parallel_loop3A_134 : vector<16xf32>
        %parallel_loop3A_136 = arith.constant 48 : i32
        %parallel_loop3A_137 = arith.addi %parallel_loop3A_91, %parallel_loop3A_136 : i32
        %parallel_loop3A_138 = arith.addi %mul3A_85, %parallel_loop3A_137 : i32
        %parallel_loop3A_139 = arith.index_cast %parallel_loop3A_138 : i32 to index
        %parallel_loop3A_140 = tpu.vector_load %arg7[%parallel_loop3A_139] {strides = array<i32>} : memref<16384xi32, #tpu.memory_space<vmem>>, vector<16xi32>,
        %parallel_loop3A_141 = tpu.vector_load_idx %arg6[%parallel_loop3A_140] : memref<100000xf32, #tpu.memory_space<vmem>>[vector<16xi32>], vector<16xf32>,
        %parallel_loop3A_142 = arith.addi %mul3A_87, %parallel_loop3A_137 : i32
        %parallel_loop3A_143 = arith.index_cast %parallel_loop3A_142 : i32 to index
        %parallel_loop3A_144 = tpu.vector_load %arg8[%parallel_loop3A_143] {strides = array<i32>} : memref<8192xf32, #tpu.memory_space<vmem>>, vector<16xf32>,
        %parallel_loop3A_145 = arith.subf %parallel_loop3A_144, %parallel_loop3A_141 : vector<16xf32>
        %parallel_loop3A_146 = arith.mulf %parallel_loop3A_145, %parallel_loop3A_145 : vector<16xf32>
        %parallel_loop3A_147 = arith.addf %parallel_loop3A_95, %parallel_loop3A_146 : vector<16xf32>
        %parallel_loop3A_148 = arith.constant 64 : i32
        %parallel_loop3A_149 = arith.addi %parallel_loop3A_91, %parallel_loop3A_148 : i32
        %parallel_loop3A_150 = arith.addi %mul3A_85, %parallel_loop3A_149 : i32
        %parallel_loop3A_151 = arith.index_cast %parallel_loop3A_150 : i32 to index
        %parallel_loop3A_152 = tpu.vector_load %arg7[%parallel_loop3A_151] {strides = array<i32>} : memref<16384xi32, #tpu.memory_space<vmem>>, vector<16xi32>,
        %parallel_loop3A_153 = tpu.vector_load_idx %arg6[%parallel_loop3A_152] : memref<100000xf32, #tpu.memory_space<vmem>>[vector<16xi32>], vector<16xf32>,
        %parallel_loop3A_154 = arith.addi %mul3A_87, %parallel_loop3A_149 : i32
        %parallel_loop3A_155 = arith.index_cast %parallel_loop3A_154 : i32 to index
        %parallel_loop3A_156 = tpu.vector_load %arg8[%parallel_loop3A_155] {strides = array<i32>} : memref<8192xf32, #tpu.memory_space<vmem>>, vector<16xf32>,
        %parallel_loop3A_157 = arith.subf %parallel_loop3A_156, %parallel_loop3A_153 : vector<16xf32>
        %parallel_loop3A_158 = arith.mulf %parallel_loop3A_157, %parallel_loop3A_157 : vector<16xf32>
        %parallel_loop3A_159 = arith.addf %parallel_loop3A_96, %parallel_loop3A_158 : vector<16xf32>
        %parallel_loop3A_160 = arith.constant 80 : i32
        %parallel_loop3A_161 = arith.addi %parallel_loop3A_91, %parallel_loop3A_160 : i32
        %parallel_loop3A_162 = arith.addi %mul3A_85, %parallel_loop3A_161 : i32
        %parallel_loop3A_163 = arith.index_cast %parallel_loop3A_162 : i32 to index
        %parallel_loop3A_164 = tpu.vector_load %arg7[%parallel_loop3A_163] {strides = array<i32>} : memref<16384xi32, #tpu.memory_space<vmem>>, vector<16xi32>,
        %parallel_loop3A_165 = tpu.vector_load_idx %arg6[%parallel_loop3A_164] : memref<100000xf32, #tpu.memory_space<vmem>>[vector<16xi32>], vector<16xf32>,
        %parallel_loop3A_166 = arith.addi %mul3A_87, %parallel_loop3A_161 : i32
        %parallel_loop3A_167 = arith.index_cast %parallel_loop3A_166 : i32 to index
        %parallel_loop3A_168 = tpu.vector_load %arg8[%parallel_loop3A_167] {strides = array<i32>} : memref<8192xf32, #tpu.memory_space<vmem>>, vector<16xf32>,
        %parallel_loop3A_169 = arith.subf %parallel_loop3A_168, %parallel_loop3A_165 : vector<16xf32>
        %parallel_loop3A_170 = arith.mulf %parallel_loop3A_169, %parallel_loop3A_169 : vector<16xf32>
        %parallel_loop3A_171 = arith.addf %parallel_loop3A_97, %parallel_loop3A_170 : vector<16xf32>
        %parallel_loop3A_172 = arith.constant 96 : i32
        %parallel_loop3A_173 = arith.addi %parallel_loop3A_91, %parallel_loop3A_172 : i32
        %parallel_loop3A_174 = arith.addi %mul3A_85, %parallel_loop3A_173 : i32
        %parallel_loop3A_175 = arith.index_cast %parallel_loop3A_174 : i32 to index
        %parallel_loop3A_176 = tpu.vector_load %arg7[%parallel_loop3A_175] {strides = array<i32>} : memref<16384xi32, #tpu.memory_space<vmem>>, vector<16xi32>,
        %parallel_loop3A_177 = tpu.vector_load_idx %arg6[%parallel_loop3A_176] : memref<100000xf32, #tpu.memory_space<vmem>>[vector<16xi32>], vector<16xf32>,
        %parallel_loop3A_178 = arith.addi %mul3A_87, %parallel_loop3A_173 : i32
        %parallel_loop3A_179 = arith.index_cast %parallel_loop3A_178 : i32 to index
        %parallel_loop3A_180 = tpu.vector_load %arg8[%parallel_loop3A_179] {strides = array<i32>} : memref<8192xf32, #tpu.memory_space<vmem>>, vector<16xf32>,
        %parallel_loop3A_181 = arith.subf %parallel_loop3A_180, %parallel_loop3A_177 : vector<16xf32>
        %parallel_loop3A_182 = arith.mulf %parallel_loop3A_181, %parallel_loop3A_181 : vector<16xf32>
        %parallel_loop3A_183 = arith.addf %parallel_loop3A_98, %parallel_loop3A_182 : vector<16xf32>
        %parallel_loop3A_184 = arith.constant 112 : i32
        %parallel_loop3A_185 = arith.addi %parallel_loop3A_91, %parallel_loop3A_184 : i32
        %parallel_loop3A_186 = arith.addi %mul3A_85, %parallel_loop3A_185 : i32
        %parallel_loop3A_187 = arith.index_cast %parallel_loop3A_186 : i32 to index
        %parallel_loop3A_188 = tpu.vector_load %arg7[%parallel_loop3A_187] {strides = array<i32>} : memref<16384xi32, #tpu.memory_space<vmem>>, vector<16xi32>,
        %parallel_loop3A_189 = tpu.vector_load_idx %arg6[%parallel_loop3A_188] : memref<100000xf32, #tpu.memory_space<vmem>>[vector<16xi32>], vector<16xf32>,
        %parallel_loop3A_190 = arith.addi %mul3A_87, %parallel_loop3A_185 : i32
        %parallel_loop3A_191 = arith.index_cast %parallel_loop3A_190 : i32 to index
        %parallel_loop3A_192 = tpu.vector_load %arg8[%parallel_loop3A_191] {strides = array<i32>} : memref<8192xf32, #tpu.memory_space<vmem>>, vector<16xf32>,
        %parallel_loop3A_193 = arith.subf %parallel_loop3A_192, %parallel_loop3A_189 : vector<16xf32>
        %parallel_loop3A_194 = arith.mulf %parallel_loop3A_193, %parallel_loop3A_193 : vector<16xf32>
        %parallel_loop3A_195 = arith.addf %parallel_loop3A_99, %parallel_loop3A_194 : vector<16xf32>
        scf.yield %parallel_loop3A_111, %parallel_loop3A_123, %parallel_loop3A_135, %parallel_loop3A_147, %parallel_loop3A_159, %parallel_loop3A_171, %parallel_loop3A_183, %parallel_loop3A_195 : vector<16xf32>, vector<16xf32>, vector<16xf32>, vector<16xf32>, vector<16xf32>, vector<16xf32>, vector<16xf32>, vector<16xf32>
      } {sc.loop_unroll_factor = 1 : i64, sc.parallel_access}
      scf.yield %parallel_loop3A_90#0, %parallel_loop3A_90#1, %parallel_loop3A_90#2, %parallel_loop3A_90#3, %parallel_loop3A_90#4, %parallel_loop3A_90#5, %parallel_loop3A_90#6, %parallel_loop3A_90#7 : vector<16xf32>, vector<16xf32>, vector<16xf32>, vector<16xf32>, vector<16xf32>, vector<16xf32>, vector<16xf32>, vector<16xf32>
    }
    %scan3A_33 = arith.constant 8 : i32
    %add3A_34 = arith.addf %scan3A_32#0, %scan3A_32#1 : vector<16xf32>
    %add3A_35 = arith.addf %add3A_34, %scan3A_32#2 : vector<16xf32>
    %add3A_36 = arith.addf %add3A_35, %scan3A_32#3 : vector<16xf32>
    %add3A_37 = arith.addf %add3A_36, %scan3A_32#4 : vector<16xf32>
    %add3A_38 = arith.addf %add3A_37, %scan3A_32#5 : vector<16xf32>
    %add3A_39 = arith.addf %add3A_38, %scan3A_32#6 : vector<16xf32>
    %add3A_40 = arith.addf %add3A_39, %scan3A_32#7 : vector<16xf32>
    %swap3A = arith.constant 0 : index
    %swap3A_41 = tpu.vector_load %arg9[%swap3A] {strides = array<i32>} : memref<16xf32, #tpu.memory_space<vmem>>, vector<16xf32>,
    tpu.vector_store %arg9[%swap3A], %add3A_40 {strides = array<i32>} : memref<16xf32, #tpu.memory_space<vmem>>, vector<16xf32>,
    "tpu.region"() ({
      %run_scoped3A = tpu.sem_alloc : memref<!tpu.dma_semaphore, #tpu.memory_space<semaphore_mem>>
      %dma_start3A_42 = arith.constant 0 : i32
      %dma_start3A_43 = tpu.memref_slice %arg5[%add3A, %dma_start3A_42] : memref<32x16xf32, #tpu.memory_space<hbm>> -> memref<1x16xf32, #tpu.memory_space<hbm>>
      %dma_start3A_44 = tpu.memref_squeeze %dma_start3A_43 : memref<1x16xf32, #tpu.memory_space<hbm>> -> memref<16xf32, #tpu.memory_space<hbm>>
      %dma_start3A_45 = arith.constant 0 : i32
      %dma_start3A_46 = tpu.memref_slice %arg5[%add3A, %dma_start3A_45] : memref<32x16xf32, #tpu.memory_space<hbm>> -> memref<1x16xf32, #tpu.memory_space<hbm>>
      %dma_start3A_47 = tpu.memref_squeeze %dma_start3A_46 : memref<1x16xf32, #tpu.memory_space<hbm>> -> memref<16xf32, #tpu.memory_space<hbm>>
      tpu.enqueue_dma source(%arg9 : memref<16xf32, #tpu.memory_space<vmem>>) target(%dma_start3A_47 : memref<16xf32, #tpu.memory_space<hbm>>) target_semaphore(%run_scoped3A : memref<!tpu.dma_semaphore, #tpu.memory_space<semaphore_mem>>)
      %dma_wait3A = arith.constant 0 : i32
      %dma_wait3A_48 = tpu.memref_slice %arg5[%add3A, %dma_wait3A] : memref<32x16xf32, #tpu.memory_space<hbm>> -> memref<1x16xf32, #tpu.memory_space<hbm>>
      %dma_wait3A_49 = tpu.memref_squeeze %dma_wait3A_48 : memref<1x16xf32, #tpu.memory_space<hbm>> -> memref<16xf32, #tpu.memory_space<hbm>>
      %dma_wait3A_50 = arith.constant 0 : i32
      %dma_wait3A_51 = tpu.memref_slice %arg5[%add3A, %dma_wait3A_50] : memref<32x16xf32, #tpu.memory_space<hbm>> -> memref<1x16xf32, #tpu.memory_space<hbm>>
      %dma_wait3A_52 = tpu.memref_squeeze %dma_wait3A_51 : memref<1x16xf32, #tpu.memory_space<hbm>> -> memref<16xf32, #tpu.memory_space<hbm>>
      tpu.wait_dma2 semaphore(%run_scoped3A : memref<!tpu.dma_semaphore, #tpu.memory_space<semaphore_mem>>) src(%arg9 : memref<16xf32, #tpu.memory_space<vmem>>) dst(%dma_wait3A_52 : memref<16xf32, #tpu.memory_space<hbm>>)
      tpu.yield
    }) : () -> ()
    return
  }
}

</mosaic_0001>

<sc_bundles>
// kernel: kernel.3.cloned.1.call-start
scs
__scs_entry_jumppad:
0x0: {  	(pc) =	sbr.rel $0x88, $3  }
0x1: {  	(tag) =	ssettag $0x0;
	lr =	simm.s32 $0x1  }
0x2: {  	[smem:$0x3F9E] =	sst lr;
	_ =	strace $0xD0000000  }
0x3: {  	_ = 	snop  }
0x4: {  	_ = 	snop  }
0x5: {  	_ = 	snop  }
0x6: {  	_ = 	snop  }
0x7: {  	_ = 	snop  }
__scs_overlays_trampoline_lowered:
0x8: {  	[smem:$0x3FAD] =	sst s0  }
0x9: {  	[smem:$0x3FAE] =	sst s1  }
0xa: {  	[smem:$0x3FAF] =	sst s2  }
0xb: {  	[smem:$0x3FB0] =	sst s3  }
0xc: {  	[smem:$0x3FB1] =	sst s4  }
0xd: {  	[smem:$0x3FB2] =	sst s5  }
0xe: {  	[smem:$0x3FB3] =	sst s6  }
0xf: {  	[smem:$0x3FB4] =	sst s7  }
0x10: {  	[smem:$0x3FB5] =	sst s8  }
0x11: {  	[smem:$0x3FB6] =	sst s9;
	s0 =	simm.s32 @!p0 $0x0  }
0x12: {  	s1 =	sld [smem:$0x3F9C];
	s0 =	simm.s32 @p0 $0x1  }
0x13: {  	[smem:$0x3FB7] =	sst s0;
	s0 =	simm.s32 @!p1 $0x0  }
0x14: {  	s2 =	sld [smem:$0x3F9B];
	s0 =	simm.s32 @p1 $0x1  }
0x15: {  	[smem:$0x3FB8] =	sst s0;
	s0 =	simm.s32 @!p2 $0x0  }
0x16: {  	s3 =	sld [smem:$0x3FDB];
	s0 =	simm.s32 @p2 $0x1  }
0x17: {  	s4 =	simm.s32 $0x1BF5;
	[smem:$0x3FBA] =	sst s0  }
0x18: {  	s0 =	sld [smem:$0x3F9D];
	_ =	swait.ge [sflag:s4], $0x0  }
0x19: {  	s7 =	sld [smem:$0x3F9E]  }
0x1a: {  	s8 =	sadd.s32 $0xFFFFE003, lr  }
0x1b: {  	s9 =	sadd.s32 $0xFFFFFEF7, lr;
	s5 =	simm.s32 $0xFFFFFFFF;
	p2 =	slt.u32 s8, $0xFFFFF086  }
0x1c: {  	p1 =	slt.u32 s9, $0xF7A;
	s5 =	simm.s32 @!p2 $0x0  }
0x1d: {  	s5 =	simm.s32 @p1 $0x1;
	p0 =	seq.s32 s7, s2  }
0x1e: {  	s7 =	smul.u32 @!p0 $0xF7A, s2;
	p2 =	seq.s32 @!p0 s5, $0x0  }
0x1f: {  	s9 =	smul.u32 $0xF7A, s1;
	s8 =	simm.s32 @!p0 $0x1BF5;
	p2 =	por !p2, p0  }
0x20: {  	[sflag:s8] =	ssyncset.s32 @!p0 $0xFFFFF086;
	s6 =	sadd.s32 @!p0 s3, s7;
	s7 =	simm.s32 @!p0 $0x108  }
0x21: {  	s3 =	sadd.s32 s3, s9;
	s6 =	sadd.s32 @!p0 $0x88, s6;
	s7 =	simm.s32 @p2 $0x1082  }
0x22: {  	[simem:s7], [sflag:s8] =	dma.local @!p0 [hbm:s6], $0xF7A  }
0x23: {  	s9 =	sor.u32 $0xD0000000, s2;
	s6 =	simm.s32 $0x108;
	_ =	swait.ge @!p0 [sflag:s8], $0x0  }
0x24: {  	s3 =	sadd.s32 $0x88, s3;
	s6 =	simm.s32 @!p1 $0x1082;
	[sflag:s4] =	ssyncset.s32 $0xFFFFF086  }
0x25: {  	[simem:s6], [sflag:s4] =	dma.local [hbm:s3], $0xF7A  }
0x26: {  	[smem:$0x3F9E] =	sst s1;
	(tag) =	ssettag s2;
	_ =	strace s9  }
0x27: {  	s1 =	sld [smem:$0x3FAE]  }
0x28: {  	s2 =	sld [smem:$0x3FAF]  }
0x29: {  	s4 =	sld [smem:$0x3FB1]  }
0x2a: {  	p0 =	seq.s32 s5, $0x0;
	s5 =	sld [smem:$0x3FB2]  }
0x2b: {  	s6 =	sld [smem:$0x3FB3]  }
0x2c: {  	s7 =	sld [smem:$0x3FB4]  }
0x2d: {  	s3 =	simm.s32 $0x108;
	s8 =	sld [smem:$0x3FB5]  }
0x2e: {  	s3 =	simm.s32 @!p0 $0x1082;
	s9 =	sld [smem:$0x3FB6]  }
0x2f: {  	lr =	sadd.s32 s0, s3;
	s0 =	sld [smem:$0x3FAD]  }
0x30: {  	s3 =	sld [smem:$0x3FB0]  }
0x31: {  	[smem:$0x3FB9] =	sst s10  }
0x32: {  	s10 =	sld [smem:$0x3FB7];
	_ =	sdelay $0x3  }
0x33: {  	p0 =	seq.s32 s10, $0x1;
	s10 =	sld [smem:$0x3FB9];
	_ =	sdelay $0x3  }
0x34: {  	[smem:$0x3FB9] =	sst s10  }
0x35: {  	s10 =	sld [smem:$0x3FB8];
	_ =	sdelay $0x3  }
0x36: {  	p1 =	seq.s32 s10, $0x1;
	s10 =	sld [smem:$0x3FB9];
	_ =	sdelay $0x3  }
0x37: {  	[smem:$0x3FB9] =	sst s10  }
0x38: {  	s10 =	sld [smem:$0x3FBA]  }
0x39: {  	_ = 	snop;
	(pc) =	sbr.ind lr, $3  }
0x3a: {  	_ = 	snop  }
0x3b: {  	_ = 	snop  }
0x3c: {  	p2 =	seq.s32 s10, $0x1;
	s10 =	sld [smem:$0x3FB9]  }
0x3d: {  	_ =	shalt  }
0x3e: {  	_ =	shalt  }
0x3f: {  	_ =	shalt  }
0x40: {  	_ =	shalt  }
0x41: {  	_ =	shalt  }
0x42: {  	_ =	shalt  }
0x43: {  	_ =	shalt  }
0x44: {  	_ =	shalt  }
0x45: {  	_ =	shalt  }
0x46: {  	_ =	shalt  }
0x47: {  	_ =	shalt  }
0x48: {  	_ =	shalt  }
0x49: {  	_ =	shalt  }
0x4a: {  	_ =	shalt  }
0x4b: {  	_ =	shalt  }
0x4c: {  	_ =	shalt  }
0x4d: {  	_ =	shalt  }
0x4e: {  	_ =	shalt  }
0x4f: {  	_ =	shalt  }
0x50: {  	_ =	shalt  }
0x51: {  	_ =	shalt  }
0x52: {  	_ =	shalt  }
0x53: {  	_ =	shalt  }
0x54: {  	_ =	shalt  }
0x55: {  	_ =	shalt  }
0x56: {  	_ =	shalt  }
0x57: {  	_ =	shalt  }
0x58: {  	_ =	shalt  }
0x59: {  	_ =	shalt  }
0x5a: {  	_ =	shalt  }
0x5b: {  	_ =	shalt  }
0x5c: {  	_ =	shalt  }
0x5d: {  	_ =	shalt  }
0x5e: {  	_ =	shalt  }
0x5f: {  	_ =	shalt  }
0x60: {  	_ =	shalt  }
0x61: {  	_ =	shalt  }
0x62: {  	_ =	shalt  }
0x63: {  	_ =	shalt  }
0x64: {  	_ =	shalt  }
0x65: {  	_ =	shalt  }
0x66: {  	_ =	shalt  }
0x67: {  	_ =	shalt  }
0x68: {  	_ =	shalt  }
0x69: {  	_ =	shalt  }
0x6a: {  	_ =	shalt  }
0x6b: {  	_ =	shalt  }
0x6c: {  	_ =	shalt  }
0x6d: {  	_ =	shalt  }
0x6e: {  	_ =	shalt  }
0x6f: {  	_ =	shalt  }
0x70: {  	_ =	shalt  }
0x71: {  	_ =	shalt  }
0x72: {  	_ =	shalt  }
0x73: {  	_ =	shalt  }
0x74: {  	_ =	shalt  }
0x75: {  	_ =	shalt  }
0x76: {  	_ =	shalt  }
0x77: {  	_ =	shalt  }
0x78: {  	_ =	shalt  }
0x79: {  	_ =	shalt  }
0x7a: {  	_ =	shalt  }
0x7b: {  	_ =	shalt  }
0x7c: {  	_ =	shalt  }
0x7d: {  	_ =	shalt  }
0x7e: {  	_ =	shalt  }
0x7f: {  	_ =	shalt  }
0x80: {  	_ =	shalt  }
0x81: {  	_ =	shalt  }
0x82: {  	_ =	shalt  }
0x83: {  	_ =	shalt  }
0x84: {  	_ =	shalt  }
0x85: {  	_ =	shalt  }
0x86: {  	_ =	shalt  }
0x87: {  	_ =	shalt  }
.Lfunc_end0:
.L_simem_size_0:
called_computation_lowered:
.L_overlay_start_0:
0x88: {  	s2 =	sld [smem:$0x3FD9]  }
0x89: {  	s3 =	sld [smem:$0x3FFE];
	_ =	sdelay $0x1  }
0x8a: {  	s1 =	srdreg.scid  }
0x8b: {  	s0 =	sand.u32 $0x1, s1  }
0x8c: {  	s17 =	sshll.u32 s0, $0xA;
	s2 =	sadd.s32 s3, s2  }
0x8d: {  	s2 =	sadd.s32 s2, s17  }
0x8e: {  	[smem:$0x3FC5] =	sst s2  }
0x8f: {  	_ = 	snop  }
0x90: {  	s2 =	sld [smem:$0x3FC9]  }
0x91: {  	s18 =	sld [smem:$0x3FC8]  }
0x92: {  	s4 =	sld [smem:$0x3FC7];
	(tm) =	ssettm $0x1  }
0x93: {  	s5 =	sld [smem:$0x3FFB];
	_ =	sdelay $0x3  }
0x94: {  	_ =	strace s5  }
0x95: {  	s5 =	sld [smem:$0x3FFC];
	_ =	sdelay $0x3  }
0x96: {  	_ =	strace s5  }
0x97: {  	s5 =	sld [smem:$0x3FFD];
	_ =	sdelay $0x3  }
0x98: {  	_ =	strace s5  }
0x99: {  	_ =	strace $0x8FFFFFFF  }
0x9a: {  	s19 =	sld [smem:$0x3FDB];
	_ =	sdelay $0x1  }
0x9b: {  	s6 =	simm.s32 $_scs_section_size  }
0x9c: {  	s7 =	simm.s32 $_size__tile_overlayer_lowered;
	s8 =	simm.s32 $_tile_overlayer_lowered  }
0x9d: {  	s22 =	simm.s32 $0x1BFF;
	s21 =	sshll.u32 s8, $0x1;
	s5 =	sadd.s32 s6, s19  }
0x9e: {  	s9 =	simm.s32 $0x0;
	s20 =	sshll.u32 s7, $0x1;
	s7 =	sadd.s32 s21, s5  }
0x9f: {  	[timem:s9], [sflag:s22] =	dma.local [hbm:s7], s20  }
0xa0: {  	_ =	swait.ge [sflag:s22], s20  }
0xa1: {  	s6 =	ssub.s32 $0x0, s20;
	[sflag:s22] =	ssyncset.done $0x0  }
0xa2: {  	[sflag:s22] =	ssyncadd.s32 s6;
	_ =	sdelay $0x1  }
0xa3: {  	s23 =	simm.s32 $0x1B8B  }
0xa4: {  	_ =	swait.ge [sflag:s23], $0x1  }
0xa5: {  	[sflag:s23] =	ssyncset.done $0x0  }
0xa6: {  	s25 =	simm.s32 $0x1B8E;
	s24 =	sld [smem:$0x3FFE];
	[sflag:s23] =	ssyncadd.s32 $0xFFFFFFFF  }
0xa7: {  	s26 =	simm.s32 $execute0_lowered;
	[smem:$0x3FD2] =	sst s25  }
0xa8: {  	s7 =	sshll.u32 s26, $0x1;
	_ =	strace $0x80000046;
	[dreg:$0x1] =	wrdreg $0xFFFFFFFF  }
0xa9: {  	s28 =	simm.s32 $_size_execute0_lowered;
	s5 =	sadd.s32 s5, s7;
	[dreg:$0x0] =	wrdreg $0x0  }
0xaa: {  	s7 =	sshll.u32 s28, $0x1;
	[dreg:$0x2] =	wrdreg s5  }
0xab: {  	[dreg:$0x3] =	wrdreg s7  }
0xac: {  	[dreg:$0x4] =	wrdreg $0xC0  }
0xad: {  	_ =	task [dreg:s9], $0x5FFFF  }
0xae: {  	[dreg:$0x1] =	wrdreg $0xFFFFFFFF  }
0xaf: {  	[dreg:$0x0] =	wrdreg $0x60  }
0xb0: {  	[dreg:$0x2] =	wrdreg s4  }
0xb1: {  	[dreg:$0x3] =	wrdreg s18  }
0xb2: {  	[dreg:$0x4] =	wrdreg s2  }
0xb3: {  	[dreg:$0x5] =	wrdreg s24  }
0xb4: {  	[dreg:$0x6] =	wrdreg $0x9  }
0xb5: {  	_ =	task.clear_ibuf [dreg:s9], $0x7FFFF;
	_ =	strace $0x90000046  }
0xb6: {  	s29 =	simm.s32 $0x9;
	_ =	strace $0x80000048  }
0xb7: {  	_ =	swait.ge [sflag:s29], $0x1  }
0xb8: {  	[sflag:s29] =	ssyncadd.s32 $0xFFFFFFFF  }
0xb9: {  	_ =	strace $0x90000048  }
0xba: {  	_ =	sfence  }
0xbb: {  	s30 =	sld [smem:$0x0];
	_ =	sdelay $0x2  }
0xbc: {  	s31 =	sshll.u32 s1, $0xD;
	s1 =	sshrl.u32 s1, $0x2  }
0xbd: {  	s3 =	sand.u32 $0x4000, s31;
	s1 =	sadd.s32 s1, s30  }
0xbe: {  	s0 =	sor.u32 s3, s0;
	s1 =	sshll.u32 s1, $0x11  }
0xbf: {  	s0 =	sor.u32 s1, s0  }
0xc0: {  	s0 =	sadd.s32 $0x8F2B, s0  }
0xc1: {  	[sflag:s0] =	ssyncadd.remote.s32 $0x1  }
0xc2: {  	_ =	sfence.sel $0xFFFF  }
0xc3: {  	[dreg:$0x0] =	wrdreg $0xFFFFFFFF;
	(pc) =	sbr.abs _section_cstart, $3  }
0xc4: {  	[dreg:$0x1] =	wrdreg $0xFFFFFFFF  }
0xc5: {  	_ =	task.clear_ibuf [dreg:s9], $0x2FFFF;
	_ =	strace $0x9FFFFFFF  }
0xc6: {  	(tm) =	ssettm $0x7FFFFFFF  }
0xc7: {  	_ =	shalt  }
tec
execute0_lowered:
.L_overlay_start_1:
0x0: {  	(tag) =	ssettag $0x1  }
0x1: {  	s6 =	rddreg [dreg:$0x0]  }
0x2: {  	s1 =	rddreg [dreg:$0x1]  }
0x3: {  	s2 =	rddreg [dreg:$0x2]  }
0x4: {  	s9 =	rddreg [dreg:$0x3]  }
0x5: {  	s0 =	rddreg [dreg:$0x4]  }
0x6: {  	s4 =	simm.s32 $0x0;
	s5 =	srdreg.scid;
	s3 =	stileid.u32  }
0x7: {  	s13 =	simm.s32 $0x400;
	s14 =	simm.s32 $0x1C700;
	s15 =	simm.s32 $0x2  }
0x8: {  	s16 =	simm.s32 $0x1;
	s17 =	simm.s32 $0x1E700;
	s18 =	simm.s32 $0x5  }
0x9: {  	s19 =	simm.s32 $0x0;
	[smem:$0x7FF] =	sst s4;
	s5 =	sand.u32 $0x1, s5  }
0xa: {  	s7 =	sshll.u32 s3, $0x1;
	s30 =	sshrl.u32 s3, $0x1;
	_ =	strace $0x80000047  }
0xb: {  	s8 =	sor.u32 s5, s7;
	s5 =	ssub.s32 $0x2, s5;
	s10 =	smul.u32 $0xC3800, s30  }
0xc: {  	s7 =	sshll.u32 s30, $0x11;
	s11 =	sshll.u32 s8, $0x8;
	s12 =	sshrl.u32 s5, $0x1  }
0xd: {  	s31 =	sshll.u32 s8, $0x4;
	s11 =	sand.u32 $0x300, s11;
	s12 =	ssub.s32 s5, s12  }
0xe: {  	s5 =	sshll.u32 s8, $0x1;
	s10 =	sor.u32 s10, s11;
	s7 =	sor.u32 s7, s11  }
0xf: {  	s9 =	sadd.s32 s9, s31;
	s10 =	sshrl.u32 s10, $0x3;
	s7 =	sshrl.u32 s7, $0x3  }
0x10: {  	s11 =	simm.s32 $0x18700;
	s6 =	sadd.s32 s6, s10;
	s7 =	sadd.s32 s2, s7  }
0x11: {  	s10 =	smax.u32 s12, $0x1;
	s12 =	simm.s32 $0x80;
	s8 =	sadd.s32 $0x10, s6  }
.LBB2_1:
0x12: {  	[tilespmem:s11], [sflag:$0x2] =	stream.linear.gather [hbm4b:s1+s4], $0x4000, $0x38;
	[tilespmem:$0x1E780] =	vst v63  }
0x13: {  	_ = 	snop  }
0x14: {  	[tilespmem:s4], [sflag:$0x1] =	stream.strided.gather [hbm4b:s6+s12], $0x18700, s13, s12, $0x38;
	[tilespmem:$0x1E780] =	vst v63  }
0x15: {  	_ = 	snop  }
0x16: {  	[tilespmem:s14], [sflag:$0x3] =	stream.strided.gather [hbm4b:s7+s12], $0x1000, s13, s12, $0x38;
	[tilespmem:$0x1E780] =	vst v63  }
0x17: {  	v0 =	vimm.f32 $0.0e+00;
	v1 =	vimm.f32 $0.0e+00;
	_ =	swait.ge [sflag:s15], $0x4000  }
0x18: {  	v2 =	vimm.f32 $0.0e+00;
	v3 =	vimm.f32 $0.0e+00;
	v4 =	vimm.f32 $0.0e+00;
	[sflag:s15] =	ssyncset.done $0x0  }
0x19: {  	v5 =	vimm.f32 $0.0e+00;
	v6 =	vimm.f32 $0.0e+00;
	v7 =	vimm.f32 $0.0e+00;
	s22 =	simm.s32 $0x0;
	[sflag:s15] =	ssyncadd.s32 $0xFFFFC000  }
.LBB2_3:
0x1a: {  	p0 =	seq.s32 s22, $0x0  }
.Ltmp0:
0x1b: {  	_ = 	snop;
	(pc) =	sbr.rel @p0 .LBB2_8-.Ltmp0, $2  }
0x1c: {  	_ =	sdelay $0x2  }
0x1d: {  	s21 =	sand.u32 $0x1, s22  }
0x1e: {  	p0 =	seq.s32 s22, $0x7  }
.Ltmp1:
0x1f: {  	_ = 	snop;
	(pc) =	sbr.rel @p0 .LBB2_5-.Ltmp1, $1  }
0x20: {  	_ =	sdelay $0x3  }
0x21: {  	p0 =	sne.s32 s22, $0x4  }
.Ltmp2:
0x22: {  	_ = 	snop;
	(pc) =	sbr.rel @p0 .LBB2_9-.Ltmp2, $1  }
0x23: {  	_ =	sdelay $0x3  }
0x24: {  	[tilespmem:s4], [sflag:$0x1] =	stream.strided.gather [hbm4b:s8+s12], $0x18700, s13, s12, $0x38;
	[tilespmem:$0x1E780] =	vst v63  }
.LBB2_8:
0x25: {  	_ =	swait.ge [sflag:s16], $0x18700  }
0x26: {  	[sflag:s16] =	ssyncset.done $0x0  }
0x27: {  	[sflag:s16] =	ssyncadd.s32 $0xFFFE7900  }
.LBB2_9:
0x28: {  	s20 =	sadd.s32 $0x1, s22  }
0x29: {  	s23 =	sshrl.u32 s20, $0x2  }
0x2a: {  	s26 =	sxor.u32 $0x1, s21;
	s25 =	sshll.u32 s20, $0xC;
	s23 =	sadd.s32 s5, s23  }
.Ltmp3:
0x2b: {  	s24 =	sshll.u32 s23, $0xB;
	s23 =	sshll.u32 s23, $0x4;
	(pc) =	sbr.rel .LBB2_10-.Ltmp3, $4  }
0x2c: {  	s25 =	sand.u32 $0x3000, s25;
	s24 =	sand.u32 $0xFFFC000, s24;
	s23 =	sand.u32 $0x70, s23  }
0x2d: {  	s31 =	sshll.u32 s26, $0xC;
	s24 =	sor.u32 s24, s25;
	s23 =	sadd.s32 s2, s23  }
0x2e: {  	s26 =	sadd.s32 $0x3, s26;
	s25 =	sor.u32 $0x1C700, s31;
	s23 =	sadd.s32 s24, s23  }
0x2f: {  	[tilespmem:s25], [sflag:s26] =	stream.strided.gather [hbm4b:s23+s12], $0x1000, s13, s12, $0x38;
	[tilespmem:$0x1E780] =	vst v63  }
.LBB2_5:
0x30: {  	s20 =	simm.s32 $0x8  }
.LBB2_10:
0x31: {  	s23 =	sadd.s32 $0x3, s21  }
0x32: {  	s22 =	sand.u32 $0x3, s22;
	_ =	swait.ge [sflag:s23], $0x1000  }
0x33: {  	s22 =	sshll.u32 s22, $0xC;
	[sflag:s23] =	ssyncset.done $0x0  }
0x34: {  	s30 =	sor.u32 $0x18740, s22;
	[sflag:s23] =	ssyncadd.s32 $0xFFFFF000  }
0x35: {  	v8 =	vld [tilespmem:s30+$0x30]  }
0x36: {  	v9 =	vld [tilespmem:s30+$0xFFFFFFD0]  }
0x37: {  	v10 =	vld [tilespmem:s30+$0xFFFFFFE0]  }
0x38: {  	v11 =	vld [tilespmem:s30+$0xFFFFFFF0]  }
0x39: {  	v13 =	vld [tilespmem:s30+$0x0]  }
0x3a: {  	v14 =	vld [tilespmem:s30+$0x10]  }
0x3b: {  	s31 =	sshll.u32 s21, $0xC;
	v15 =	vld [tilespmem:s30+$0x20]  }
0x3c: {  	s21 =	sor.u32 $0x1C740, s31;
	v16 =	vld [tilespmem:s30+$0xFFFFFFC0]  }
0x3d: {  	v18 =	vld [tilespmem:s21+$0x30]  }
0x3e: {  	v19 =	vld [tilespmem:s21+$0xFFFFFFC0]  }
0x3f: {  	v17 =	vld.idx.msk [tilespmem:v8+s4+$0x0], $0xffff  }
0x40: {  	v20 =	vld.idx.msk [tilespmem:v9+s4+$0x0], $0xffff  }
0x41: {  	v12 =	vld.idx.msk [tilespmem:v10+s4+$0x0], $0xffff  }
0x42: {  	v11 =	vld.idx.msk [tilespmem:v11+s4+$0x0], $0xffff  }
0x43: {  	v10 =	vld.idx.msk [tilespmem:v13+s4+$0x0], $0xffff  }
0x44: {  	v8 =	vld.idx.msk [tilespmem:v14+s4+$0x0], $0xffff  }
0x45: {  	v14 =	vld.idx.msk [tilespmem:v16+s4+$0x0], $0xffff  }
0x46: {  	v9 =	vld.idx.msk [tilespmem:v15+s4+$0x0], $0xffff  }
0x47: {  	v13 =	vsub.f32 v18, v17;
	v18 =	vld [tilespmem:s21+$0xFFFFFFD0]  }
0x48: {  	v17 =	vld [tilespmem:s21+$0xFFFFFFE0]  }
0x49: {  	v16 =	vld [tilespmem:s21+$0xFFFFFFF0];
	v13 =	vmul.f32 v13, v13  }
0x4a: {  	v15 =	vld [tilespmem:s21+$0x0]  }
0x4b: {  	v19 =	vsub.f32 v19, v14;
	v0 =	vadd.f32 v13, v0;
	v13 =	vld [tilespmem:s21+$0x10]  }
0x4c: {  	s22 =	simm.s32 $0x0;
	s23 =	sadd.s32 $0x80, s30;
	v14 =	vld [tilespmem:s21+$0x20];
	v18 =	vsub.f32 v18, v20  }
.LBB2_11:
0x4d: {  	v20 =	vld [tilespmem:s23+$0x30];
	s22 =	sadd.s32 $0x80, s22;
	v19 =	vmul.f32 v19, v19;
	v12 =	vsub.f32 v17, v12  }
0x4e: {  	v17 =	vld [tilespmem:s23+$0xFFFFFFD0];
	p0 =	slt.u32 s22, $0xF80;
	v18 =	vmul.f32 v18, v18;
	v11 =	vsub.f32 v16, v11  }
0x4f: {  	v16 =	vld [tilespmem:s23+$0xFFFFFFE0];
	v7 =	vadd.f32 v19, v7;
	v12 =	vmul.f32 v12, v12;
	v10 =	vsub.f32 v15, v10  }
0x50: {  	v15 =	vld [tilespmem:s23+$0xFFFFFFF0];
	v6 =	vadd.f32 v18, v6;
	v11 =	vmul.f32 v11, v11;
	v8 =	vsub.f32 v13, v8  }
0x51: {  	v13 =	vld [tilespmem:s23+$0x0];
	v5 =	vadd.f32 v12, v5;
	v10 =	vmul.f32 v10, v10;
	v9 =	vsub.f32 v14, v9  }
0x52: {  	v14 =	vld [tilespmem:s23+$0x10];
	v4 =	vadd.f32 v11, v4;
	v8 =	vmul.f32 v8, v8  }
0x53: {  	v18 =	vld [tilespmem:s23+$0x20];
	v3 =	vadd.f32 v10, v3;
	v9 =	vmul.f32 v9, v9  }
0x54: {  	v19 =	vld [tilespmem:s23+$0xFFFFFFC0];
	v2 =	vadd.f32 v8, v2  }
0x55: {  	s21 =	sadd.s32 $0x80, s21;
	v20 =	vld.idx.msk [tilespmem:v20+s4+$0x0], $0xffff;
	v1 =	vadd.f32 v9, v1  }
0x56: {  	v9 =	vld [tilespmem:s21+$0x30]  }
0x57: {  	v21 =	vld.idx.msk [tilespmem:v17+s4+$0x0], $0xffff  }
0x58: {  	v12 =	vld.idx.msk [tilespmem:v16+s4+$0x0], $0xffff  }
0x59: {  	v11 =	vld.idx.msk [tilespmem:v15+s4+$0x0], $0xffff  }
0x5a: {  	v10 =	vld.idx.msk [tilespmem:v13+s4+$0x0], $0xffff  }
0x5b: {  	v8 =	vld.idx.msk [tilespmem:v14+s4+$0x0], $0xffff;
	v13 =	vsub.f32 v9, v20  }
0x5c: {  	v14 =	vld.idx.msk [tilespmem:v19+s4+$0x0], $0xffff  }
0x5d: {  	v9 =	vld.idx.msk [tilespmem:v18+s4+$0x0], $0xffff;
	v13 =	vmul.f32 v13, v13  }
0x5e: {  	v18 =	vld [tilespmem:s21+$0xFFFFFFC0]  }
0x5f: {  	v20 =	vld [tilespmem:s21+$0xFFFFFFD0];
	v0 =	vadd.f32 v13, v0  }
.Ltmp4:
0x60: {  	v17 =	vld [tilespmem:s21+$0xFFFFFFE0];
	(pc) =	sbr.rel @p0 .LBB2_11-.Ltmp4, $4  }
0x61: {  	v16 =	vld [tilespmem:s21+$0xFFFFFFF0]  }
0x62: {  	v15 =	vld [tilespmem:s21+$0x0]  }
0x63: {  	v19 =	vsub.f32 v18, v14;
	v13 =	vld [tilespmem:s21+$0x10]  }
0x64: {  	s23 =	sadd.s32 $0x80, s23;
	v18 =	vsub.f32 v20, v21;
	v14 =	vld [tilespmem:s21+$0x20]  }
0x65: {  	_ = 	snop  }
0x66: {  	v19 =	vmul.f32 v19, v19  }
0x67: {  	v12 =	vsub.f32 v17, v12;
	v11 =	vsub.f32 v16, v11  }
0x68: {  	v63 =	vmul.f32 v18, v18;
	v7 =	vadd.f32 v19, v7;
	v10 =	vsub.f32 v15, v10  }
0x69: {  	v12 =	vmul.f32 v12, v12;
	v8 =	vsub.f32 v13, v8;
	v9 =	vsub.f32 v14, v9  }
0x6a: {  	v6 =	vadd.f32 v63, v6;
	v11 =	vmul.f32 v11, v11;
	v10 =	vmul.f32 v10, v10  }
0x6b: {  	v5 =	vadd.f32 v12, v5;
	v8 =	vmul.f32 v8, v8;
	v9 =	vmul.f32 v9, v9  }
0x6c: {  	v4 =	vadd.f32 v11, v4;
	v3 =	vadd.f32 v10, v3  }
0x6d: {  	v2 =	vadd.f32 v8, v2;
	v1 =	vadd.f32 v9, v1  }
0x6e: {  	p0 =	sgt.u32 s20, $0x7  }
.Ltmp5:
0x6f: {  	_ = 	snop;
	(pc) =	sbr.rel @!p0 .LBB2_3-.Ltmp5, $2  }
0x70: {  	_ =	sdelay $0x2  }
0x71: {  	s22 =	smov.u32 s20  }
0x72: {  	v6 =	vadd.f32 v6, v7;
	_ =	sdelay $0x1  }
0x73: {  	v5 =	vadd.f32 v5, v6;
	_ =	sdelay $0x1  }
0x74: {  	v4 =	vadd.f32 v4, v5;
	_ =	sdelay $0x1  }
0x75: {  	v3 =	vadd.f32 v3, v4;
	_ =	sdelay $0x1  }
0x76: {  	v2 =	vadd.f32 v2, v3;
	_ =	sdelay $0x1  }
0x77: {  	v1 =	vadd.f32 v1, v2;
	_ =	sdelay $0x1  }
0x78: {  	s19 =	sadd.s32 $0x1, s19;
	v0 =	vadd.f32 v0, v1  }
0x79: {  	p0 =	sne.s32 s19, s10  }
.Ltmp6:
0x7a: {  	[tilespmem:$0x1E700] =	vst v0;
	(pc) =	sbr.rel @p0 .LBB2_1-.Ltmp6, $4  }
0x7b: {  	[hbm4b:s9+s4] =	stream.linear.scatter [tilespmem:s17], [sflag:$0x5], $0x80, $0x38;
	[tilespmem:$0x1E780] =	vst v63  }
0x7c: {  	_ =	swait.ge [sflag:s18], $0x80  }
0x7d: {  	[sflag:s18] =	ssyncset.done $0x0  }
0x7e: {  	[sflag:s18] =	ssyncadd.s32 $0xFFFFFF80  }
0x7f: {  	_ =	sfence.sel $0x180000  }
0x80: {  	[bflag:$0x0] =	sbarrier.arrive $0xFFFF  }
0x81: {  	p0 =	sne.s32 s3, $0x0;
	_ =	strace $0x90000047  }
0x82: {  	s0 =	sadd.s32 @!p0 $0x100000, s0;
	[bflag:$0x2] =	sbarrier.arrive $0xFFFF  }
0x83: {  	[sflag:s0] =	ssyncadd.tile.s32 @!p0 $0x1;
	_ =	shalt  }
.Lfunc_end2:
_tile_overlayer_lowered:
.L_overlay_start_2:
0x84: {  	(tag) =	ssettag $0x2  }
0x85: {  	s0 =	rddreg [dreg:$0x0];
	s2 =	stileid.u32  }
0x86: {  	s1 =	rddreg [dreg:$0x1];
	p0 =	sne.s32 s2, $0x0  }
0x87: {  	s3 =	rddreg [dreg:$0x2];
	[bflag:$0x3] =	sbarrier.arrive $0xFFFF;
	s2 =	simm.s32 @!p0 $0x1C05  }
0x88: {  	[timem:s3], [sflag:s2] =	dma.local @!p0 [hbm:s0], s1  }
0x89: {  	s0 =	simm.s32 @!p0 $0x5  }
0x8a: {  	_ =	swait.ge @!p0 [sflag:s0], s1  }
0x8b: {  	s1 =	ssub.s32 @!p0 $0x0, s1;
	[sflag:s0] =	ssyncset.done @!p0 $0x0  }
0x8c: {  	[sflag:s0] =	ssyncadd.s32 @!p0 s1  }
0x8d: {  	[bflag:$0x3] =	sbarrier.arrive $0xFFFF  }
0x8e: {  	_ =	shalt  }

</sc_bundles>
